<compile_context>
chip_gen: v7x
topology: tpu7x:2x2x1
jax: 0.10.2.dev20260603
libtpu: 0.0.44.dev20260713+nightly
codegen_flags: <defaults>
</compile_context>

<pallas_src>
import functools

import jax
import jax.numpy as jnp
from jax import lax
from jax.experimental import pallas as pl
from jax.experimental.pallas import tpu as pltpu
from jax.experimental.pallas import tpu_sc as plsc

M = 65536
B = 1024
D = 512
K = 16
BM = 2048
NB = M // BM


def _tc_body(res_ref, feats_ref, dc_ref, init_ref, idxr_ref, idxc_ref,
             out_ref, probs_ref, loss_ref, midx_ref, srcmap_ref,
             acc_ref, ent_ref, copy_sem):
    i = pl.program_id(0)
    cent = dc_ref[...] + init_ref[...]
    c2_col = jnp.sum(cent * cent, axis=1, keepdims=True)
    ones_row = jnp.ones((1, D), dtype=jnp.float32)

    def block_probs_t(x):
        abt = lax.dot_general(cent, x, (((1,), (1,)), ((), ())),
                              preferred_element_type=jnp.float32)
        a2t = lax.dot_general(ones_row, x * x, (((1,), (1,)), ((), ())),
                              preferred_element_type=jnp.float32)
        d2 = a2t - 2.0 * abt + c2_col
        sc = -jnp.sqrt(jnp.clip(d2, 1e-12, None))
        m = jnp.max(sc, axis=0, keepdims=True)
        t = sc - m
        e = jnp.exp(t)
        s = jnp.sum(e, axis=0, keepdims=True)
        inv = 1.0 / s
        w = jnp.sum(e * t, axis=0, keepdims=True)
        ent_sum = jnp.sum(jnp.log(s) - w * inv)
        psums = jnp.sum(e * inv, axis=1, keepdims=True)
        return psums, ent_sum

    @pl.when(i == 0)
    def _():
        acc_ref[...] = jnp.zeros_like(acc_ref)
        ent_ref[0] = 0.0
        xf = feats_ref[...]
        ab = lax.dot_general(xf, cent, (((1,), (1,)), ((), ())),
                             preferred_element_type=jnp.float32)
        a2 = jnp.sum(xf * xf, axis=1, keepdims=True)
        c2_row = lax.dot_general(ones_row, cent * cent,
                                 (((1,), (1,)), ((), ())),
                                 preferred_element_type=jnp.float32)
        d2 = a2 - 2.0 * ab + c2_row
        sc = -jnp.sqrt(jnp.clip(d2, 1e-12, None))
        mf = jnp.max(sc, axis=1, keepdims=True)
        e = jnp.exp(sc - mf)
        s = jnp.sum(e, axis=1, keepdims=True)
        pf = e / s
        logpf = (sc - mf) - jnp.log(s)
        probs_ref[...] = pf
        ones_b = jnp.ones((1, B), dtype=jnp.float32)
        acc_ref[0:K, 0:1] = lax.dot_general(
            pf, ones_b, (((0,), (1,)), ((), ())),
            preferred_element_type=jnp.float32)
        ent_ref[0] = -jnp.sum(pf * logpf)
        last = pf[B - 1:B, :]
        ki = lax.broadcasted_iota(jnp.int32, (1, K), 1)
        midx_ref[0, 0] = jnp.min(jnp.where(last == jnp.max(last), ki, K))
        idxr = idxr_ref[0:1, :]
        for c in range(B // 128):
            idxc = idxc_ref[c * 128:(c + 1) * 128, 0:1]
            eq = idxc == idxr
            bi = lax.broadcasted_iota(jnp.int32, (128, B), 1)
            mx = jnp.max(jnp.where(eq, bi, -1), axis=1, keepdims=True)
            srcmap_ref[c * 128:(c + 1) * 128, :] = jnp.broadcast_to(mx, (128, 8))

    x = res_ref[...]
    psums, ent_blk = block_probs_t(x)
    out_ref[...] = x
    acc_ref[0:K, 0:1] += psums
    ent_ref[0] += ent_blk

    @pl.when(i == NB - 1)
    def _():
        total = jnp.float32(M + B)
        avg = acc_ref[0:K, 0:1] / total
        cm = jnp.sum(avg * jnp.log(avg + 1e-8))
        loss_ref[0, 0] = ent_ref[0] / total + cm


def _tc_call(reservoir_feats, feats, delta_centroids, init_style, idxr, idxc):
    return pl.pallas_call(
        _tc_body,
        grid=(NB,),
        in_specs=[
            pl.BlockSpec((BM, D), lambda i: (i, 0)),
            pl.BlockSpec((B, D), lambda i: (0, 0)),
            pl.BlockSpec((K, D), lambda i: (0, 0)),
            pl.BlockSpec((1, D), lambda i: (0, 0)),
            pl.BlockSpec((8, B), lambda i: (0, 0)),
            pl.BlockSpec((B, 8), lambda i: (0, 0)),
        ],
        out_specs=[
            pl.BlockSpec((BM, D), lambda i: (i, 0)),
            pl.BlockSpec((B, K), lambda i: (0, 0)),
            pl.BlockSpec(memory_space=pltpu.SMEM),
            pl.BlockSpec(memory_space=pltpu.SMEM),
            pl.BlockSpec((B, 8), lambda i: (0, 0)),
        ],
        out_shape=[
            jax.ShapeDtypeStruct((M, D), jnp.float32),
            jax.ShapeDtypeStruct((B, K), jnp.float32),
            jax.ShapeDtypeStruct((1, 1), jnp.float32),
            jax.ShapeDtypeStruct((1, 1), jnp.int32),
            jax.ShapeDtypeStruct((B, 8), jnp.int32),
        ],
        scratch_shapes=[
            pltpu.VMEM((16, 128), jnp.float32),
            pltpu.SMEM((1,), jnp.float32),
            pltpu.SemaphoreType.DMA,
        ],
        compiler_params=pltpu.CompilerParams(
            dimension_semantics=("arbitrary",),
        ),
    )(reservoir_feats, feats, delta_centroids, init_style, idxr, idxc)


def _sc_scatter(res_val, feats, dst_idx, src_idx):
    mesh = plsc.VectorSubcoreMesh(core_axis_name="c", subcore_axis_name="s")
    nc = mesh.num_cores
    nw = nc * mesh.num_subcores
    bpw = B // nw

    @functools.partial(
        pl.kernel,
        mesh=mesh,
        out_type=(),
        scratch_types=[
            pltpu.VMEM((bpw,), jnp.int32),
            pltpu.VMEM((bpw,), jnp.int32),
            pltpu.VMEM((bpw, D), jnp.float32),
            pltpu.SemaphoreType.DMA,
            pltpu.SemaphoreType.DMA,
        ],
    )
    def scat(res_ref, feats_hbm, dst_hbm, src_hbm, dst_v, src_v, rows_v,
             sem_g, sem_s):
        wid = lax.axis_index("s") * nc + lax.axis_index("c")
        base = wid * bpw
        pltpu.sync_copy(dst_hbm.at[pl.ds(base, bpw)], dst_v)
        pltpu.sync_copy(src_hbm.at[pl.ds(base, bpw)], src_v)
        pltpu.async_copy(feats_hbm.at[src_v], rows_v, sem_g).wait()
        pltpu.async_copy(rows_v, res_ref.at[dst_v], sem_s).wait()

    ref = jax.new_ref(res_val)
    scat(ref, feats, dst_idx, src_idx)
    return jax.freeze(ref)


def kernel(reservoir_feats, feats, delta_centroids, init_style, replace_idx):
    idx = replace_idx.astype(jnp.int32)
    idxr = jnp.broadcast_to(idx[None, :], (8, B))
    idxc = jnp.broadcast_to(idx[:, None], (B, 8))
    new_res, probs_models, loss2d, midx2d, srcmap8 = _tc_call(
        reservoir_feats, feats, delta_centroids, init_style, idxr, idxc)
    srcmap = srcmap8[:, 0]
    new_reservoir = _sc_scatter(new_res, feats, idx, srcmap)
    loss = loss2d[0, 0]
    model_idx = midx2d[0, 0]
    return loss, probs_models, model_idx, new_reservoir

# --- scband reference (transcript-rebuilt; emitter-appended) ---
"""Pipeline reference for scband-mi-uniform-69587060129966 (READ-ONLY COPY).

The authoritative reference and input builder live on the scoring server;
editing this copy changes nothing except your own understanding.
"""

import jax, jax.numpy as jnp
import numpy as np

M = 65536   # reservoir_size_per_domain (4096) * k (16)
B = 1024
D = 512
K = 16

def setup_inputs(seed: int = 0) -> dict:
    key = jax.random.key(seed)
    k1, k2, k3, k4, k5 = jax.random.split(key, 5)
    reservoir_feats = jax.random.normal(k1, (M, D), dtype=jnp.float32)
    feats = jax.random.normal(k2, (B, D), dtype=jnp.float32)
    delta_centroids = jax.random.normal(k3, (K, D), dtype=jnp.float32)
    init_style = jax.random.normal(k4, (1, D), dtype=jnp.float32)
    replace_idx = jax.random.randint(k5, (B,), 0, M, dtype=jnp.int64 if jax.config.jax_enable_x64 else jnp.int32).astype(jnp.int32)
    return {
        "reservoir_feats": reservoir_feats,
        "feats": feats,
        "delta_centroids": delta_centroids,
        "init_style": init_style,
        "replace_idx": replace_idx,
    }

def _cdist(a, b):
    # Euclidean pairwise distance, faithful to torch.cdist(p=2)
    a2 = jnp.sum(a * a, axis=1, keepdims=True)
    b2 = jnp.sum(b * b, axis=1)[None, :]
    d2 = a2 - 2.0 * (a @ b.T) + b2
    return jnp.sqrt(jnp.clip(d2, 1e-12, None))

def reference(reservoir_feats, feats, delta_centroids, init_style, replace_idx):
    # MI_Uniform.update core computation (valid batch, no new cluster branch):
    centroids = delta_centroids + init_style                 # [K, D]
    reservoir = jnp.concatenate([reservoir_feats, feats], axis=0)  # [M+B, D]
    scores = -_cdist(reservoir, centroids)                    # [M+B, K]
    probs = jax.nn.softmax(scores, axis=-1)
    log_probs = jax.nn.log_softmax(scores, axis=-1)
    avg_probs = probs.mean(axis=0)
    entropy = jnp.sum(-probs * log_probs, axis=-1).mean()
    class_marginal = jnp.sum(avg_probs * jnp.log(avg_probs + 1e-08))
    loss = entropy + class_marginal
    probs_models = probs[-feats.shape[0]:]                    # probs of new feats
    model_idx = jnp.argmax(probs_models[-1:], axis=-1)[0]
    # reservoir memory update: scatter-overwrite rows (row-sharded memory write)
    new_reservoir = reservoir_feats.at[replace_idx].set(feats)
    return loss, probs_models, model_idx, new_reservoir

if __name__ == "__main__":
    import jax
    _d = setup_inputs()
    print(jax.jit(kernel)(*tuple(_d.values())))

</pallas_src>

<mosaic_0001>
#map = affine_map<(d0, d1) -> (0, 0)>
#map1 = affine_map<(d0, d1) -> (0)>
module attributes {stable_mosaic.version = 14 : i64} {
  func.func @new_body(%arg0: i32, %arg1: i32, %arg2: memref<65536x512xf32, #tpu.memory_space<hbm>>, %arg3: memref<1024x512xf32, #tpu.memory_space<hbm>>, %arg4: memref<1024xi32, #tpu.memory_space<hbm>>, %arg5: memref<1024xi32, #tpu.memory_space<hbm>>, %arg6: memref<65536x512xf32, #tpu.memory_space<hbm>>, %arg7: memref<32xi32, #tpu.memory_space<vmem>>, %arg8: memref<32xi32, #tpu.memory_space<vmem>>, %arg9: memref<32x512xf32, #tpu.memory_space<vmem>>, %arg10: memref<!tpu.dma_semaphore, #tpu.memory_space<semaphore_mem>>, %arg11: memref<!tpu.dma_semaphore, #tpu.memory_space<semaphore_mem>>) attributes {dimension_semantics = [#tpu.dimension_semantics<core_parallel>, #tpu.dimension_semantics<subcore_parallel>], iteration_bounds = array<i64: 2, 16>, scalar_prefetch = 0 : i64, scratch_operands = 5 : i64, tpu.core_type = #tpu.core_type<sc_vector_subcore>, window_params = [{transform_indices = #map}, {transform_indices = #map}, {transform_indices = #map1}, {transform_indices = #map1}, {transform_indices = #map}]} {
    %mul3A = arith.constant 2 : i32
    %mul3A_0 = arith.muli %arg1, %mul3A : i32
    %add3A = arith.addi %mul3A_0, %arg0 : i32
    %mul3A_1 = arith.constant 32 : i32
    %mul3A_2 = arith.muli %add3A, %mul3A_1 : i32
    "tpu.region"() ({
      %run_scoped3A = tpu.sem_alloc : memref<!tpu.dma_semaphore, #tpu.memory_space<semaphore_mem>>
      %dma_start3A_13 = tpu.memref_slice %arg4[%mul3A_2] : memref<1024xi32, #tpu.memory_space<hbm>> -> memref<32xi32, #tpu.memory_space<hbm>>
      %dma_start3A_14 = tpu.memref_slice %arg4[%mul3A_2] : memref<1024xi32, #tpu.memory_space<hbm>> -> memref<32xi32, #tpu.memory_space<hbm>>
      tpu.enqueue_dma source(%dma_start3A_14 : memref<32xi32, #tpu.memory_space<hbm>>) target(%arg7 : memref<32xi32, #tpu.memory_space<vmem>>) target_semaphore(%run_scoped3A : memref<!tpu.dma_semaphore, #tpu.memory_space<semaphore_mem>>)
      %dma_wait3A_15 = tpu.memref_slice %arg4[%mul3A_2] : memref<1024xi32, #tpu.memory_space<hbm>> -> memref<32xi32, #tpu.memory_space<hbm>>
      %dma_wait3A_16 = tpu.memref_slice %arg4[%mul3A_2] : memref<1024xi32, #tpu.memory_space<hbm>> -> memref<32xi32, #tpu.memory_space<hbm>>
      tpu.wait_dma2 semaphore(%run_scoped3A : memref<!tpu.dma_semaphore, #tpu.memory_space<semaphore_mem>>) src(%dma_wait3A_16 : memref<32xi32, #tpu.memory_space<hbm>>) dst(%arg7 : memref<32xi32, #tpu.memory_space<vmem>>)
      tpu.yield
    }) : () -> ()
    "tpu.region"() ({
      %run_scoped3A = tpu.sem_alloc : memref<!tpu.dma_semaphore, #tpu.memory_space<semaphore_mem>>
      %dma_start3A_13 = tpu.memref_slice %arg5[%mul3A_2] : memref<1024xi32, #tpu.memory_space<hbm>> -> memref<32xi32, #tpu.memory_space<hbm>>
      %dma_start3A_14 = tpu.memref_slice %arg5[%mul3A_2] : memref<1024xi32, #tpu.memory_space<hbm>> -> memref<32xi32, #tpu.memory_space<hbm>>
      tpu.enqueue_dma source(%dma_start3A_14 : memref<32xi32, #tpu.memory_space<hbm>>) target(%arg8 : memref<32xi32, #tpu.memory_space<vmem>>) target_semaphore(%run_scoped3A : memref<!tpu.dma_semaphore, #tpu.memory_space<semaphore_mem>>)
      %dma_wait3A_15 = tpu.memref_slice %arg5[%mul3A_2] : memref<1024xi32, #tpu.memory_space<hbm>> -> memref<32xi32, #tpu.memory_space<hbm>>
      %dma_wait3A_16 = tpu.memref_slice %arg5[%mul3A_2] : memref<1024xi32, #tpu.memory_space<hbm>> -> memref<32xi32, #tpu.memory_space<hbm>>
      tpu.wait_dma2 semaphore(%run_scoped3A : memref<!tpu.dma_semaphore, #tpu.memory_space<semaphore_mem>>) src(%dma_wait3A_16 : memref<32xi32, #tpu.memory_space<hbm>>) dst(%arg8 : memref<32xi32, #tpu.memory_space<vmem>>)
      tpu.yield
    }) : () -> ()
    %dma_start3A = arith.constant 0 : i32
    %dma_start3A_3 = arith.constant 0 : i32
    %dma_start3A_4 = tpu.memref_slice %arg3[%dma_start3A, %dma_start3A_3] : memref<1024x512xf32, #tpu.memory_space<hbm>> -> memref<1024x512xf32, #tpu.memory_space<hbm>>
    tpu.enqueue_indirect_dma source(%dma_start3A_4 : memref<1024x512xf32, #tpu.memory_space<hbm>>) target(%arg9 : memref<32x512xf32, #tpu.memory_space<vmem>>) offsets(%arg8 : memref<32xi32, #tpu.memory_space<vmem>>) semaphore(%arg10 : memref<!tpu.dma_semaphore, #tpu.memory_space<semaphore_mem>>)
    %dma_wait3A = arith.constant 0 : i32
    %dma_wait3A_5 = arith.constant 0 : i32
    %dma_wait3A_6 = tpu.memref_slice %arg3[%dma_wait3A, %dma_wait3A_5] : memref<1024x512xf32, #tpu.memory_space<hbm>> -> memref<1024x512xf32, #tpu.memory_space<hbm>>
    tpu.wait_indirect_dma semaphore(%arg10 : memref<!tpu.dma_semaphore, #tpu.memory_space<semaphore_mem>>) src(%dma_wait3A_6 : memref<1024x512xf32, #tpu.memory_space<hbm>>) dst(%arg9 : memref<32x512xf32, #tpu.memory_space<vmem>>)
    %dma_start3A_7 = arith.constant 0 : i32
    %dma_start3A_8 = arith.constant 0 : i32
    %dma_start3A_9 = tpu.memref_slice %arg2[%dma_start3A_7, %dma_start3A_8] : memref<65536x512xf32, #tpu.memory_space<hbm>> -> memref<65536x512xf32, #tpu.memory_space<hbm>>
    tpu.enqueue_indirect_dma source(%arg9 : memref<32x512xf32, #tpu.memory_space<vmem>>) target(%dma_start3A_9 : memref<65536x512xf32, #tpu.memory_space<hbm>>) offsets(%arg7 : memref<32xi32, #tpu.memory_space<vmem>>) semaphore(%arg11 : memref<!tpu.dma_semaphore, #tpu.memory_space<semaphore_mem>>)
    %dma_wait3A_10 = arith.constant 0 : i32
    %dma_wait3A_11 = arith.constant 0 : i32
    %dma_wait3A_12 = tpu.memref_slice %arg2[%dma_wait3A_10, %dma_wait3A_11] : memref<65536x512xf32, #tpu.memory_space<hbm>> -> memref<65536x512xf32, #tpu.memory_space<hbm>>
    tpu.wait_indirect_dma semaphore(%arg11 : memref<!tpu.dma_semaphore, #tpu.memory_space<semaphore_mem>>) src(%arg9 : memref<32x512xf32, #tpu.memory_space<vmem>>) dst(%dma_wait3A_12 : memref<65536x512xf32, #tpu.memory_space<hbm>>)
    return
  }
}

module attributes {stable_mosaic.version = 14 : i64} {
  func.func @_tc_body(%arg0: i32, %arg1: memref<2048x512xf32, #tpu.memory_space<vmem>>, %arg2: memref<1024x512xf32, #tpu.memory_space<vmem>>, %arg3: memref<16x512xf32, #tpu.memory_space<vmem>>, %arg4: memref<1x512xf32, #tpu.memory_space<vmem>>, %arg5: memref<8x1024xi32, #tpu.memory_space<vmem>>, %arg6: memref<1024x8xi32, #tpu.memory_space<vmem>>, %arg7: memref<2048x512xf32, #tpu.memory_space<vmem>>, %arg8: memref<1024x16xf32, #tpu.memory_space<vmem>>, %arg9: memref<1x1xf32, #tpu.memory_space<smem>>, %arg10: memref<1x1xi32, #tpu.memory_space<smem>>, %arg11: memref<1024x8xi32, #tpu.memory_space<vmem>>, %arg12: memref<16x128xf32, #tpu.memory_space<vmem>>, %arg13: memref<1xf32, #tpu.memory_space<smem>>, %arg14: memref<!tpu.dma_semaphore, #tpu.memory_space<semaphore_mem>>) attributes {dimension_semantics = [#tpu.dimension_semantics<arbitrary>], iteration_bounds = array<i64: 32>, scalar_prefetch = 0 : i64, scratch_operands = 3 : i64, tpu.core_type = #tpu.core_type<tc>, window_params = [{transform_indices = @transform_0, window_bounds = array<i64: 2048, 512>}, {pipeline_mode = #tpu.pipeline_mode<synchronous>, transform_indices = @transform_1, window_bounds = array<i64: 1024, 512>}, {pipeline_mode = #tpu.pipeline_mode<synchronous>, transform_indices = @transform_2, window_bounds = array<i64: 16, 512>}, {pipeline_mode = #tpu.pipeline_mode<synchronous>, transform_indices = @transform_3, window_bounds = array<i64: 1, 512>}, {pipeline_mode = #tpu.pipeline_mode<synchronous>, transform_indices = @transform_4, window_bounds = array<i64: 8, 1024>}, {pipeline_mode = #tpu.pipeline_mode<synchronous>, transform_indices = @transform_5, window_bounds = array<i64: 1024, 8>}, {transform_indices = @transform_6, window_bounds = array<i64: 2048, 512>}, {pipeline_mode = #tpu.pipeline_mode<synchronous>, transform_indices = @transform_7, window_bounds = array<i64: 1024, 16>}, {transform_indices = @transform_8, window_bounds = array<i64: 1, 1>}, {transform_indices = @transform_9, window_bounds = array<i64: 1, 1>}, {pipeline_mode = #tpu.pipeline_mode<synchronous>, transform_indices = @transform_10, window_bounds = array<i64: 1024, 8>}]} {
    %get3A = arith.constant 0 : index
    %get3A_0 = arith.constant 0 : index
    %get3A_1 = vector.load %arg3[%get3A, %get3A_0] : memref<16x512xf32, #tpu.memory_space<vmem>>, vector<16x512xf32>
    %get3A_2 = arith.constant 0 : index
    %get3A_3 = arith.constant 0 : index
    %get3A_4 = vector.load %arg4[%get3A_2, %get3A_3] : memref<1x512xf32, #tpu.memory_space<vmem>>, vector<1x512xf32>
    %add3A = vector.broadcast %get3A_4 : vector<1x512xf32> to vector<16x512xf32>
    %add3A_5 = arith.addf %get3A_1, %add3A : vector<16x512xf32>
    %mul3A = arith.mulf %add3A_5, %add3A_5 : vector<16x512xf32>
    %reduce_sum3A = arith.constant dense<0.000000e+00> : vector<16xf32>
    %reduce_sum3A_6 = vector.multi_reduction <add>, %mul3A, %reduce_sum3A [1] : vector<16x512xf32> to vector<16xf32>
    %broadcast_in_dim3A = vector.shape_cast %reduce_sum3A_6 : vector<16xf32> to vector<16x1xf32>
    %broadcast_in_dim3A_7 = arith.constant 1.000000e+00 : f32
    %broadcast_in_dim3A_8 = vector.broadcast %broadcast_in_dim3A_7 : f32 to vector<1x512xf32>
    %eq3A = arith.constant 0 : i32
    %eq3A_9 = arith.cmpi eq, %arg0, %eq3A : i32
    %convert_element_type3A = arith.extui %eq3A_9 : i1 to i32
    %cond3A = arith.constant 0 : i32
    %cond3A_10 = arith.cmpi ne, %convert_element_type3A, %cond3A : i32
    scf.if %cond3A_10 {
      %broadcast_in_dim3A_71 = arith.constant 0.000000e+00 : f32
      %broadcast_in_dim3A_72 = vector.broadcast %broadcast_in_dim3A_71 : f32 to vector<16x128xf32>
      %swap3A_73 = arith.constant 0 : index
      %swap3A_74 = arith.constant 0 : index
      %swap3A_75 = vector.load %arg12[%swap3A_73, %swap3A_74] : memref<16x128xf32, #tpu.memory_space<vmem>>, vector<16x128xf32>
      tpu.vector_store %arg12[%swap3A_73, %swap3A_74], %broadcast_in_dim3A_72 {strides = array<i32>} : memref<16x128xf32, #tpu.memory_space<vmem>>, vector<16x128xf32>,
      %swap3A_76 = arith.constant 0.000000e+00 : f32
      %swap3A_77 = arith.constant 0 : index
      %swap3A_78 = memref.load %arg13[%swap3A_77] : memref<1xf32, #tpu.memory_space<smem>>
      memref.store %swap3A_76, %arg13[%swap3A_77] : memref<1xf32, #tpu.memory_space<smem>>
      %get3A_79 = arith.constant 0 : index
      %get3A_80 = arith.constant 0 : index
      %get3A_81 = vector.load %arg2[%get3A_79, %get3A_80] : memref<1024x512xf32, #tpu.memory_space<vmem>>, vector<1024x512xf32>
      %dot_general3A_82 = arith.constant dense<0.000000e+00> : vector<1024x16xf32>
      %dot_general3A_83 = tpu.matmul %get3A_81, %add3A_5, %dot_general3A_82 {dimension_numbers = #tpu.dot_dimension_numbers<[1], [1], [0], [0], [0, 0, 1, 0], [], []>, transpose_lhs_hint = false} : vector<1024x512xf32>, vector<16x512xf32>, vector<1024x16xf32> -> vector<1024x16xf32>
      %mul3A_84 = arith.mulf %get3A_81, %get3A_81 : vector<1024x512xf32>
      %reduce_sum3A_85 = arith.constant dense<0.000000e+00> : vector<1024xf32>
      %reduce_sum3A_86 = vector.multi_reduction <add>, %mul3A_84, %reduce_sum3A_85 [1] : vector<1024x512xf32> to vector<1024xf32>
      %broadcast_in_dim3A_87 = vector.shape_cast %reduce_sum3A_86 : vector<1024xf32> to vector<1024x1xf32>
      %mul3A_88 = arith.mulf %add3A_5, %add3A_5 : vector<16x512xf32>
      %dot_general3A_89 = arith.constant dense<0.000000e+00> : vector<1x16xf32>
      %dot_general3A_90 = tpu.matmul %broadcast_in_dim3A_8, %mul3A_88, %dot_general3A_89 {dimension_numbers = #tpu.dot_dimension_numbers<[1], [1], [0], [0], [0, 0, 1, 0], [], []>, transpose_lhs_hint = false} : vector<1x512xf32>, vector<16x512xf32>, vector<1x16xf32> -> vector<1x16xf32>
      %mul3A_91 = arith.constant 2.000000e+00 : f32
      %mul3A_92 = vector.broadcast %mul3A_91 : f32 to vector<1024x16xf32>
      %mul3A_93 = arith.mulf %mul3A_92, %dot_general3A_83 : vector<1024x16xf32>
      %sub3A_94 = vector.broadcast %broadcast_in_dim3A_87 : vector<1024x1xf32> to vector<1024x16xf32>
      %sub3A_95 = arith.subf %sub3A_94, %mul3A_93 : vector<1024x16xf32>
      %add3A_96 = vector.broadcast %dot_general3A_90 : vector<1x16xf32> to vector<1024x16xf32>
      %add3A_97 = arith.addf %sub3A_95, %add3A_96 : vector<1024x16xf32>
      %jit3A_98 = arith.constant 9.99999996E-13 : f32
      %max3A_99 = vector.broadcast %jit3A_98 : f32 to vector<1024x16xf32>
      %max3A_100 = arith.maximumf %max3A_99, %add3A_97 : vector<1024x16xf32>
      %sqrt3A_101 = math.sqrt %max3A_100 : vector<1024x16xf32>
      %neg3A_102 = arith.constant 0.000000e+00 : f32
      %neg3A_103 = vector.broadcast %neg3A_102 : f32 to vector<1024x16xf32>
      %neg3A_104 = arith.subf %neg3A_103, %sqrt3A_101 : vector<1024x16xf32>
      %reduce_max3A_105 = arith.constant dense<0xFF800000> : vector<1024xf32>
      %reduce_max3A_106 = vector.multi_reduction <maximumf>, %neg3A_104, %reduce_max3A_105 [1] : vector<1024x16xf32> to vector<1024xf32>
      %broadcast_in_dim3A_107 = vector.shape_cast %reduce_max3A_106 : vector<1024xf32> to vector<1024x1xf32>
      %sub3A_108 = vector.broadcast %broadcast_in_dim3A_107 : vector<1024x1xf32> to vector<1024x16xf32>
      %sub3A_109 = arith.subf %neg3A_104, %sub3A_108 : vector<1024x16xf32>
      %exp3A_110 = math.exp %sub3A_109 : vector<1024x16xf32>
      %reduce_sum3A_111 = arith.constant dense<0.000000e+00> : vector<1024xf32>
      %reduce_sum3A_112 = vector.multi_reduction <add>, %exp3A_110, %reduce_sum3A_111 [1] : vector<1024x16xf32> to vector<1024xf32>
      %broadcast_in_dim3A_113 = vector.shape_cast %reduce_sum3A_112 : vector<1024xf32> to vector<1024x1xf32>
      %div3A_114 = vector.broadcast %broadcast_in_dim3A_113 : vector<1024x1xf32> to vector<1024x16xf32>
      %div3A_115 = arith.divf %exp3A_110, %div3A_114 : vector<1024x16xf32>
      %sub3A_116 = vector.broadcast %broadcast_in_dim3A_107 : vector<1024x1xf32> to vector<1024x16xf32>
      %sub3A_117 = arith.subf %neg3A_104, %sub3A_116 : vector<1024x16xf32>
      %log3A_118 = math.log %broadcast_in_dim3A_113 : vector<1024x1xf32>
      %sub3A_119 = vector.broadcast %log3A_118 : vector<1024x1xf32> to vector<1024x16xf32>
      %sub3A_120 = arith.subf %sub3A_117, %sub3A_119 : vector<1024x16xf32>
      %swap3A_121 = arith.constant 0 : index
      %swap3A_122 = arith.constant 0 : index
      %swap3A_123 = vector.load %arg8[%swap3A_121, %swap3A_122] : memref<1024x16xf32, #tpu.memory_space<vmem>>, vector<1024x16xf32>
      tpu.vector_store %arg8[%swap3A_121, %swap3A_122], %div3A_115 {strides = array<i32>} : memref<1024x16xf32, #tpu.memory_space<vmem>>, vector<1024x16xf32>,
      %broadcast_in_dim3A_124 = arith.constant 1.000000e+00 : f32
      %broadcast_in_dim3A_125 = vector.broadcast %broadcast_in_dim3A_124 : f32 to vector<1x1024xf32>
      %dot_general3A_126 = arith.constant dense<0.000000e+00> : vector<16x1xf32>
      %dot_general3A_127 = tpu.matmul %div3A_115, %broadcast_in_dim3A_125, %dot_general3A_126 {dimension_numbers = #tpu.dot_dimension_numbers<[0], [1], [1], [0], [0, 1, 1, 0], [], []>, transpose_lhs_hint = false} : vector<1024x16xf32>, vector<1x1024xf32>, vector<16x1xf32> -> vector<16x1xf32>
      %swap3A_128 = arith.constant 0 : index
      %swap3A_129 = arith.constant 0 : index
      %swap3A_130 = vector.load %arg12[%swap3A_128, %swap3A_129] : memref<16x128xf32, #tpu.memory_space<vmem>>, vector<16x1xf32>
      tpu.vector_store %arg12[%swap3A_128, %swap3A_129], %dot_general3A_127 {strides = array<i32>} : memref<16x128xf32, #tpu.memory_space<vmem>>, vector<16x1xf32>,
      %mul3A_131 = arith.mulf %div3A_115, %sub3A_120 : vector<1024x16xf32>
      %reduce_sum3A_132 = vector.shape_cast %mul3A_131 : vector<1024x16xf32> to vector<1x1024x16xf32>
      %reduce_sum3A_133 = arith.constant dense<0.000000e+00> : vector<1xf32>
      %reduce_sum3A_134 = vector.multi_reduction <add>, %reduce_sum3A_132, %reduce_sum3A_133 [1, 2] : vector<1x1024x16xf32> to vector<1xf32>
      %reduce_sum3A_135 = vector.shape_cast %reduce_sum3A_134 : vector<1xf32> to vector<1x1x1xf32>
      %reduce_sum3A_136 = vector.extract %reduce_sum3A_135[0, 0, 0] : f32 from vector<1x1x1xf32>
      %neg3A_137 = arith.constant 0.000000e+00 : f32
      %neg3A_138 = arith.subf %neg3A_137, %reduce_sum3A_136 : f32
      %swap3A_139 = arith.constant 0 : index
      %swap3A_140 = memref.load %arg13[%swap3A_139] : memref<1xf32, #tpu.memory_space<smem>>
      memref.store %neg3A_138, %arg13[%swap3A_139] : memref<1xf32, #tpu.memory_space<smem>>
      %slice3A = vector.extract_strided_slice %div3A_115 {offsets = [1023, 0], sizes = [1, 16], strides = [1, 1]} : vector<1024x16xf32> to vector<1x16xf32>
      %iota3A = tpu.iota {dimensions = array<i32: 1>} : vector<1x16xi32>
      %reduce_max3A_141 = vector.shape_cast %slice3A : vector<1x16xf32> to vector<1x1x16xf32>
      %reduce_max3A_142 = arith.constant dense<0xFF800000> : vector<1xf32>
      %reduce_max3A_143 = vector.multi_reduction <maximumf>, %reduce_max3A_141, %reduce_max3A_142 [1, 2] : vector<1x1x16xf32> to vector<1xf32>
      %reduce_max3A_144 = vector.shape_cast %reduce_max3A_143 : vector<1xf32> to vector<1x1x1xf32>
      %reduce_max3A_145 = vector.extract %reduce_max3A_144[0, 0, 0] : f32 from vector<1x1x1xf32>
      %eq3A_146 = vector.broadcast %reduce_max3A_145 : f32 to vector<1x16xf32>
      %eq3A_147 = arith.cmpf oeq, %slice3A, %eq3A_146 : vector<1x16xf32>
      %jit3A_148 = arith.constant 16 : i32
      %broadcast_in_dim3A_149 = vector.broadcast %jit3A_148 : i32 to vector<1x16xi32>
      %select_n3A = arith.select %eq3A_147, %iota3A, %broadcast_in_dim3A_149 : vector<1x16xi1>, vector<1x16xi32>
      %reduce_min3A = vector.shape_cast %select_n3A : vector<1x16xi32> to vector<1x1x16xi32>
      %reduce_min3A_150 = arith.constant dense<2147483647> : vector<1xi32>
      %reduce_min3A_151 = vector.multi_reduction <minsi>, %reduce_min3A, %reduce_min3A_150 [1, 2] : vector<1x1x16xi32> to vector<1xi32>
      %reduce_min3A_152 = vector.shape_cast %reduce_min3A_151 : vector<1xi32> to vector<1x1x1xi32>
      %reduce_min3A_153 = vector.extract %reduce_min3A_152[0, 0, 0] : i32 from vector<1x1x1xi32>
      %swap3A_154 = arith.constant 0 : index
      %swap3A_155 = arith.constant 0 : index
      %swap3A_156 = memref.load %arg10[%swap3A_154, %swap3A_155] : memref<1x1xi32, #tpu.memory_space<smem>>
      memref.store %reduce_min3A_153, %arg10[%swap3A_154, %swap3A_155] : memref<1x1xi32, #tpu.memory_space<smem>>
      %get3A_157 = arith.constant 0 : index
      %get3A_158 = arith.constant 0 : index
      %get3A_159 = vector.load %arg5[%get3A_157, %get3A_158] : memref<8x1024xi32, #tpu.memory_space<vmem>>, vector<1x1024xi32>
      %get3A_160 = arith.constant 0 : index
      %get3A_161 = arith.constant 0 : index
      %get3A_162 = vector.load %arg6[%get3A_160, %get3A_161] : memref<1024x8xi32, #tpu.memory_space<vmem>>, vector<128x1xi32>
      %eq3A_163 = vector.broadcast %get3A_162 : vector<128x1xi32> to vector<128x1024xi32>
      %eq3A_164 = vector.broadcast %get3A_159 : vector<1x1024xi32> to vector<128x1024xi32>
      %eq3A_165 = arith.cmpi eq, %eq3A_163, %eq3A_164 : vector<128x1024xi32>
      %iota3A_166 = tpu.iota {dimensions = array<i32: 1>} : vector<128x1024xi32>
      %jit3A_167 = arith.constant -1 : i32
      %broadcast_in_dim3A_168 = vector.broadcast %jit3A_167 : i32 to vector<128x1024xi32>
      %select_n3A_169 = arith.select %eq3A_165, %iota3A_166, %broadcast_in_dim3A_168 : vector<128x1024xi1>, vector<128x1024xi32>
      %reduce_max3A_170 = arith.constant dense<-2147483648> : vector<128xi32>
      %reduce_max3A_171 = vector.multi_reduction <maxsi>, %select_n3A_169, %reduce_max3A_170 [1] : vector<128x1024xi32> to vector<128xi32>
      %broadcast_in_dim3A_172 = vector.shape_cast %reduce_max3A_171 : vector<128xi32> to vector<128x1xi32>
      %broadcast_in_dim3A_173 = vector.shape_cast %broadcast_in_dim3A_172 : vector<128x1xi32> to vector<128x1xi32>
      %broadcast_in_dim3A_174 = vector.broadcast %broadcast_in_dim3A_173 : vector<128x1xi32> to vector<128x8xi32>
      %swap3A_175 = arith.constant 0 : index
      %swap3A_176 = arith.constant 0 : index
      %swap3A_177 = vector.load %arg11[%swap3A_175, %swap3A_176] : memref<1024x8xi32, #tpu.memory_space<vmem>>, vector<128x8xi32>
      tpu.vector_store %arg11[%swap3A_175, %swap3A_176], %broadcast_in_dim3A_174 {strides = array<i32>} : memref<1024x8xi32, #tpu.memory_space<vmem>>, vector<128x8xi32>,
      %get3A_178 = arith.constant 128 : index
      %get3A_179 = arith.constant 0 : index
      %get3A_180 = vector.load %arg6[%get3A_178, %get3A_179] : memref<1024x8xi32, #tpu.memory_space<vmem>>, vector<128x1xi32>
      %eq3A_181 = vector.broadcast %get3A_180 : vector<128x1xi32> to vector<128x1024xi32>
      %eq3A_182 = vector.broadcast %get3A_159 : vector<1x1024xi32> to vector<128x1024xi32>
      %eq3A_183 = arith.cmpi eq, %eq3A_181, %eq3A_182 : vector<128x1024xi32>
      %iota3A_184 = tpu.iota {dimensions = array<i32: 1>} : vector<128x1024xi32>
      %jit3A_185 = arith.constant -1 : i32
      %broadcast_in_dim3A_186 = vector.broadcast %jit3A_185 : i32 to vector<128x1024xi32>
      %select_n3A_187 = arith.select %eq3A_183, %iota3A_184, %broadcast_in_dim3A_186 : vector<128x1024xi1>, vector<128x1024xi32>
      %reduce_max3A_188 = arith.constant dense<-2147483648> : vector<128xi32>
      %reduce_max3A_189 = vector.multi_reduction <maxsi>, %select_n3A_187, %reduce_max3A_188 [1] : vector<128x1024xi32> to vector<128xi32>
      %broadcast_in_dim3A_190 = vector.shape_cast %reduce_max3A_189 : vector<128xi32> to vector<128x1xi32>
      %broadcast_in_dim3A_191 = vector.shape_cast %broadcast_in_dim3A_190 : vector<128x1xi32> to vector<128x1xi32>
      %broadcast_in_dim3A_192 = vector.broadcast %broadcast_in_dim3A_191 : vector<128x1xi32> to vector<128x8xi32>
      %swap3A_193 = arith.constant 128 : index
      %swap3A_194 = arith.constant 0 : index
      %swap3A_195 = vector.load %arg11[%swap3A_193, %swap3A_194] : memref<1024x8xi32, #tpu.memory_space<vmem>>, vector<128x8xi32>
      tpu.vector_store %arg11[%swap3A_193, %swap3A_194], %broadcast_in_dim3A_192 {strides = array<i32>} : memref<1024x8xi32, #tpu.memory_space<vmem>>, vector<128x8xi32>,
      %get3A_196 = arith.constant 256 : index
      %get3A_197 = arith.constant 0 : index
      %get3A_198 = vector.load %arg6[%get3A_196, %get3A_197] : memref<1024x8xi32, #tpu.memory_space<vmem>>, vector<128x1xi32>
      %eq3A_199 = vector.broadcast %get3A_198 : vector<128x1xi32> to vector<128x1024xi32>
      %eq3A_200 = vector.broadcast %get3A_159 : vector<1x1024xi32> to vector<128x1024xi32>
      %eq3A_201 = arith.cmpi eq, %eq3A_199, %eq3A_200 : vector<128x1024xi32>
      %iota3A_202 = tpu.iota {dimensions = array<i32: 1>} : vector<128x1024xi32>
      %jit3A_203 = arith.constant -1 : i32
      %broadcast_in_dim3A_204 = vector.broadcast %jit3A_203 : i32 to vector<128x1024xi32>
      %select_n3A_205 = arith.select %eq3A_201, %iota3A_202, %broadcast_in_dim3A_204 : vector<128x1024xi1>, vector<128x1024xi32>
      %reduce_max3A_206 = arith.constant dense<-2147483648> : vector<128xi32>
      %reduce_max3A_207 = vector.multi_reduction <maxsi>, %select_n3A_205, %reduce_max3A_206 [1] : vector<128x1024xi32> to vector<128xi32>
      %broadcast_in_dim3A_208 = vector.shape_cast %reduce_max3A_207 : vector<128xi32> to vector<128x1xi32>
      %broadcast_in_dim3A_209 = vector.shape_cast %broadcast_in_dim3A_208 : vector<128x1xi32> to vector<128x1xi32>
      %broadcast_in_dim3A_210 = vector.broadcast %broadcast_in_dim3A_209 : vector<128x1xi32> to vector<128x8xi32>
      %swap3A_211 = arith.constant 256 : index
      %swap3A_212 = arith.constant 0 : index
      %swap3A_213 = vector.load %arg11[%swap3A_211, %swap3A_212] : memref<1024x8xi32, #tpu.memory_space<vmem>>, vector<128x8xi32>
      tpu.vector_store %arg11[%swap3A_211, %swap3A_212], %broadcast_in_dim3A_210 {strides = array<i32>} : memref<1024x8xi32, #tpu.memory_space<vmem>>, vector<128x8xi32>,
      %get3A_214 = arith.constant 384 : index
      %get3A_215 = arith.constant 0 : index
      %get3A_216 = vector.load %arg6[%get3A_214, %get3A_215] : memref<1024x8xi32, #tpu.memory_space<vmem>>, vector<128x1xi32>
      %eq3A_217 = vector.broadcast %get3A_216 : vector<128x1xi32> to vector<128x1024xi32>
      %eq3A_218 = vector.broadcast %get3A_159 : vector<1x1024xi32> to vector<128x1024xi32>
      %eq3A_219 = arith.cmpi eq, %eq3A_217, %eq3A_218 : vector<128x1024xi32>
      %iota3A_220 = tpu.iota {dimensions = array<i32: 1>} : vector<128x1024xi32>
      %jit3A_221 = arith.constant -1 : i32
      %broadcast_in_dim3A_222 = vector.broadcast %jit3A_221 : i32 to vector<128x1024xi32>
      %select_n3A_223 = arith.select %eq3A_219, %iota3A_220, %broadcast_in_dim3A_222 : vector<128x1024xi1>, vector<128x1024xi32>
      %reduce_max3A_224 = arith.constant dense<-2147483648> : vector<128xi32>
      %reduce_max3A_225 = vector.multi_reduction <maxsi>, %select_n3A_223, %reduce_max3A_224 [1] : vector<128x1024xi32> to vector<128xi32>
      %broadcast_in_dim3A_226 = vector.shape_cast %reduce_max3A_225 : vector<128xi32> to vector<128x1xi32>
      %broadcast_in_dim3A_227 = vector.shape_cast %broadcast_in_dim3A_226 : vector<128x1xi32> to vector<128x1xi32>
      %broadcast_in_dim3A_228 = vector.broadcast %broadcast_in_dim3A_227 : vector<128x1xi32> to vector<128x8xi32>
      %swap3A_229 = arith.constant 384 : index
      %swap3A_230 = arith.constant 0 : index
      %swap3A_231 = vector.load %arg11[%swap3A_229, %swap3A_230] : memref<1024x8xi32, #tpu.memory_space<vmem>>, vector<128x8xi32>
      tpu.vector_store %arg11[%swap3A_229, %swap3A_230], %broadcast_in_dim3A_228 {strides = array<i32>} : memref<1024x8xi32, #tpu.memory_space<vmem>>, vector<128x8xi32>,
      %get3A_232 = arith.constant 512 : index
      %get3A_233 = arith.constant 0 : index
      %get3A_234 = vector.load %arg6[%get3A_232, %get3A_233] : memref<1024x8xi32, #tpu.memory_space<vmem>>, vector<128x1xi32>
      %eq3A_235 = vector.broadcast %get3A_234 : vector<128x1xi32> to vector<128x1024xi32>
      %eq3A_236 = vector.broadcast %get3A_159 : vector<1x1024xi32> to vector<128x1024xi32>
      %eq3A_237 = arith.cmpi eq, %eq3A_235, %eq3A_236 : vector<128x1024xi32>
      %iota3A_238 = tpu.iota {dimensions = array<i32: 1>} : vector<128x1024xi32>
      %jit3A_239 = arith.constant -1 : i32
      %broadcast_in_dim3A_240 = vector.broadcast %jit3A_239 : i32 to vector<128x1024xi32>
      %select_n3A_241 = arith.select %eq3A_237, %iota3A_238, %broadcast_in_dim3A_240 : vector<128x1024xi1>, vector<128x1024xi32>
      %reduce_max3A_242 = arith.constant dense<-2147483648> : vector<128xi32>
      %reduce_max3A_243 = vector.multi_reduction <maxsi>, %select_n3A_241, %reduce_max3A_242 [1] : vector<128x1024xi32> to vector<128xi32>
      %broadcast_in_dim3A_244 = vector.shape_cast %reduce_max3A_243 : vector<128xi32> to vector<128x1xi32>
      %broadcast_in_dim3A_245 = vector.shape_cast %broadcast_in_dim3A_244 : vector<128x1xi32> to vector<128x1xi32>
      %broadcast_in_dim3A_246 = vector.broadcast %broadcast_in_dim3A_245 : vector<128x1xi32> to vector<128x8xi32>
      %swap3A_247 = arith.constant 512 : index
      %swap3A_248 = arith.constant 0 : index
      %swap3A_249 = vector.load %arg11[%swap3A_247, %swap3A_248] : memref<1024x8xi32, #tpu.memory_space<vmem>>, vector<128x8xi32>
      tpu.vector_store %arg11[%swap3A_247, %swap3A_248], %broadcast_in_dim3A_246 {strides = array<i32>} : memref<1024x8xi32, #tpu.memory_space<vmem>>, vector<128x8xi32>,
      %get3A_250 = arith.constant 640 : index
      %get3A_251 = arith.constant 0 : index
      %get3A_252 = vector.load %arg6[%get3A_250, %get3A_251] : memref<1024x8xi32, #tpu.memory_space<vmem>>, vector<128x1xi32>
      %eq3A_253 = vector.broadcast %get3A_252 : vector<128x1xi32> to vector<128x1024xi32>
      %eq3A_254 = vector.broadcast %get3A_159 : vector<1x1024xi32> to vector<128x1024xi32>
      %eq3A_255 = arith.cmpi eq, %eq3A_253, %eq3A_254 : vector<128x1024xi32>
      %iota3A_256 = tpu.iota {dimensions = array<i32: 1>} : vector<128x1024xi32>
      %jit3A_257 = arith.constant -1 : i32
      %broadcast_in_dim3A_258 = vector.broadcast %jit3A_257 : i32 to vector<128x1024xi32>
      %select_n3A_259 = arith.select %eq3A_255, %iota3A_256, %broadcast_in_dim3A_258 : vector<128x1024xi1>, vector<128x1024xi32>
      %reduce_max3A_260 = arith.constant dense<-2147483648> : vector<128xi32>
      %reduce_max3A_261 = vector.multi_reduction <maxsi>, %select_n3A_259, %reduce_max3A_260 [1] : vector<128x1024xi32> to vector<128xi32>
      %broadcast_in_dim3A_262 = vector.shape_cast %reduce_max3A_261 : vector<128xi32> to vector<128x1xi32>
      %broadcast_in_dim3A_263 = vector.shape_cast %broadcast_in_dim3A_262 : vector<128x1xi32> to vector<128x1xi32>
      %broadcast_in_dim3A_264 = vector.broadcast %broadcast_in_dim3A_263 : vector<128x1xi32> to vector<128x8xi32>
      %swap3A_265 = arith.constant 640 : index
      %swap3A_266 = arith.constant 0 : index
      %swap3A_267 = vector.load %arg11[%swap3A_265, %swap3A_266] : memref<1024x8xi32, #tpu.memory_space<vmem>>, vector<128x8xi32>
      tpu.vector_store %arg11[%swap3A_265, %swap3A_266], %broadcast_in_dim3A_264 {strides = array<i32>} : memref<1024x8xi32, #tpu.memory_space<vmem>>, vector<128x8xi32>,
      %get3A_268 = arith.constant 768 : index
      %get3A_269 = arith.constant 0 : index
      %get3A_270 = vector.load %arg6[%get3A_268, %get3A_269] : memref<1024x8xi32, #tpu.memory_space<vmem>>, vector<128x1xi32>
      %eq3A_271 = vector.broadcast %get3A_270 : vector<128x1xi32> to vector<128x1024xi32>
      %eq3A_272 = vector.broadcast %get3A_159 : vector<1x1024xi32> to vector<128x1024xi32>
      %eq3A_273 = arith.cmpi eq, %eq3A_271, %eq3A_272 : vector<128x1024xi32>
      %iota3A_274 = tpu.iota {dimensions = array<i32: 1>} : vector<128x1024xi32>
      %jit3A_275 = arith.constant -1 : i32
      %broadcast_in_dim3A_276 = vector.broadcast %jit3A_275 : i32 to vector<128x1024xi32>
      %select_n3A_277 = arith.select %eq3A_273, %iota3A_274, %broadcast_in_dim3A_276 : vector<128x1024xi1>, vector<128x1024xi32>
      %reduce_max3A_278 = arith.constant dense<-2147483648> : vector<128xi32>
      %reduce_max3A_279 = vector.multi_reduction <maxsi>, %select_n3A_277, %reduce_max3A_278 [1] : vector<128x1024xi32> to vector<128xi32>
      %broadcast_in_dim3A_280 = vector.shape_cast %reduce_max3A_279 : vector<128xi32> to vector<128x1xi32>
      %broadcast_in_dim3A_281 = vector.shape_cast %broadcast_in_dim3A_280 : vector<128x1xi32> to vector<128x1xi32>
      %broadcast_in_dim3A_282 = vector.broadcast %broadcast_in_dim3A_281 : vector<128x1xi32> to vector<128x8xi32>
      %swap3A_283 = arith.constant 768 : index
      %swap3A_284 = arith.constant 0 : index
      %swap3A_285 = vector.load %arg11[%swap3A_283, %swap3A_284] : memref<1024x8xi32, #tpu.memory_space<vmem>>, vector<128x8xi32>
      tpu.vector_store %arg11[%swap3A_283, %swap3A_284], %broadcast_in_dim3A_282 {strides = array<i32>} : memref<1024x8xi32, #tpu.memory_space<vmem>>, vector<128x8xi32>,
      %get3A_286 = arith.constant 896 : index
      %get3A_287 = arith.constant 0 : index
      %get3A_288 = vector.load %arg6[%get3A_286, %get3A_287] : memref<1024x8xi32, #tpu.memory_space<vmem>>, vector<128x1xi32>
      %eq3A_289 = vector.broadcast %get3A_288 : vector<128x1xi32> to vector<128x1024xi32>
      %eq3A_290 = vector.broadcast %get3A_159 : vector<1x1024xi32> to vector<128x1024xi32>
      %eq3A_291 = arith.cmpi eq, %eq3A_289, %eq3A_290 : vector<128x1024xi32>
      %iota3A_292 = tpu.iota {dimensions = array<i32: 1>} : vector<128x1024xi32>
      %jit3A_293 = arith.constant -1 : i32
      %broadcast_in_dim3A_294 = vector.broadcast %jit3A_293 : i32 to vector<128x1024xi32>
      %select_n3A_295 = arith.select %eq3A_291, %iota3A_292, %broadcast_in_dim3A_294 : vector<128x1024xi1>, vector<128x1024xi32>
      %reduce_max3A_296 = arith.constant dense<-2147483648> : vector<128xi32>
      %reduce_max3A_297 = vector.multi_reduction <maxsi>, %select_n3A_295, %reduce_max3A_296 [1] : vector<128x1024xi32> to vector<128xi32>
      %broadcast_in_dim3A_298 = vector.shape_cast %reduce_max3A_297 : vector<128xi32> to vector<128x1xi32>
      %broadcast_in_dim3A_299 = vector.shape_cast %broadcast_in_dim3A_298 : vector<128x1xi32> to vector<128x1xi32>
      %broadcast_in_dim3A_300 = vector.broadcast %broadcast_in_dim3A_299 : vector<128x1xi32> to vector<128x8xi32>
      %swap3A_301 = arith.constant 896 : index
      %swap3A_302 = arith.constant 0 : index
      %swap3A_303 = vector.load %arg11[%swap3A_301, %swap3A_302] : memref<1024x8xi32, #tpu.memory_space<vmem>>, vector<128x8xi32>
      tpu.vector_store %arg11[%swap3A_301, %swap3A_302], %broadcast_in_dim3A_300 {strides = array<i32>} : memref<1024x8xi32, #tpu.memory_space<vmem>>, vector<128x8xi32>,
    } else {
    }
    %get3A_11 = arith.constant 0 : index
    %get3A_12 = arith.constant 0 : index
    %get3A_13 = vector.load %arg1[%get3A_11, %get3A_12] : memref<2048x512xf32, #tpu.memory_space<vmem>>, vector<2048x512xf32>
    %dot_general3A = arith.constant dense<0.000000e+00> : vector<16x2048xf32>
    %dot_general3A_14 = tpu.matmul %add3A_5, %get3A_13, %dot_general3A {dimension_numbers = #tpu.dot_dimension_numbers<[1], [1], [0], [0], [0, 0, 1, 0], [], []>, transpose_lhs_hint = false} : vector<16x512xf32>, vector<2048x512xf32>, vector<16x2048xf32> -> vector<16x2048xf32>
    %mul3A_15 = arith.mulf %get3A_13, %get3A_13 : vector<2048x512xf32>
    %dot_general3A_16 = arith.constant dense<0.000000e+00> : vector<1x2048xf32>
    %dot_general3A_17 = tpu.matmul %broadcast_in_dim3A_8, %mul3A_15, %dot_general3A_16 {dimension_numbers = #tpu.dot_dimension_numbers<[1], [1], [0], [0], [0, 0, 1, 0], [], []>, transpose_lhs_hint = false} : vector<1x512xf32>, vector<2048x512xf32>, vector<1x2048xf32> -> vector<1x2048xf32>
    %mul3A_18 = arith.constant 2.000000e+00 : f32
    %mul3A_19 = vector.broadcast %mul3A_18 : f32 to vector<16x2048xf32>
    %mul3A_20 = arith.mulf %mul3A_19, %dot_general3A_14 : vector<16x2048xf32>
    %sub3A = vector.broadcast %dot_general3A_17 : vector<1x2048xf32> to vector<16x2048xf32>
    %sub3A_21 = arith.subf %sub3A, %mul3A_20 : vector<16x2048xf32>
    %add3A_22 = vector.broadcast %broadcast_in_dim3A : vector<16x1xf32> to vector<16x2048xf32>
    %add3A_23 = arith.addf %sub3A_21, %add3A_22 : vector<16x2048xf32>
    %jit3A = arith.constant 9.99999996E-13 : f32
    %max3A = vector.broadcast %jit3A : f32 to vector<16x2048xf32>
    %max3A_24 = arith.maximumf %max3A, %add3A_23 : vector<16x2048xf32>
    %sqrt3A = math.sqrt %max3A_24 : vector<16x2048xf32>
    %neg3A = arith.constant 0.000000e+00 : f32
    %neg3A_25 = vector.broadcast %neg3A : f32 to vector<16x2048xf32>
    %neg3A_26 = arith.subf %neg3A_25, %sqrt3A : vector<16x2048xf32>
    %reduce_max3A = arith.constant dense<0xFF800000> : vector<2048xf32>
    %reduce_max3A_27 = vector.multi_reduction <maximumf>, %neg3A_26, %reduce_max3A [0] : vector<16x2048xf32> to vector<2048xf32>
    %broadcast_in_dim3A_28 = vector.shape_cast %reduce_max3A_27 : vector<2048xf32> to vector<1x2048xf32>
    %sub3A_29 = vector.broadcast %broadcast_in_dim3A_28 : vector<1x2048xf32> to vector<16x2048xf32>
    %sub3A_30 = arith.subf %neg3A_26, %sub3A_29 : vector<16x2048xf32>
    %exp3A = math.exp %sub3A_30 : vector<16x2048xf32>
    %reduce_sum3A_31 = arith.constant dense<0.000000e+00> : vector<2048xf32>
    %reduce_sum3A_32 = vector.multi_reduction <add>, %exp3A, %reduce_sum3A_31 [0] : vector<16x2048xf32> to vector<2048xf32>
    %broadcast_in_dim3A_33 = vector.shape_cast %reduce_sum3A_32 : vector<2048xf32> to vector<1x2048xf32>
    %div3A = arith.constant 1.000000e+00 : f32
    %div3A_34 = vector.broadcast %div3A : f32 to vector<1x2048xf32>
    %div3A_35 = arith.divf %div3A_34, %broadcast_in_dim3A_33 : vector<1x2048xf32>
    %mul3A_36 = arith.mulf %exp3A, %sub3A_30 : vector<16x2048xf32>
    %reduce_sum3A_37 = arith.constant dense<0.000000e+00> : vector<2048xf32>
    %reduce_sum3A_38 = vector.multi_reduction <add>, %mul3A_36, %reduce_sum3A_37 [0] : vector<16x2048xf32> to vector<2048xf32>
    %broadcast_in_dim3A_39 = vector.shape_cast %reduce_sum3A_38 : vector<2048xf32> to vector<1x2048xf32>
    %log3A = math.log %broadcast_in_dim3A_33 : vector<1x2048xf32>
    %mul3A_40 = arith.mulf %broadcast_in_dim3A_39, %div3A_35 : vector<1x2048xf32>
    %sub3A_41 = arith.subf %log3A, %mul3A_40 : vector<1x2048xf32>
    %reduce_sum3A_42 = vector.shape_cast %sub3A_41 : vector<1x2048xf32> to vector<1x1x2048xf32>
    %reduce_sum3A_43 = arith.constant dense<0.000000e+00> : vector<1xf32>
    %reduce_sum3A_44 = vector.multi_reduction <add>, %reduce_sum3A_42, %reduce_sum3A_43 [1, 2] : vector<1x1x2048xf32> to vector<1xf32>
    %reduce_sum3A_45 = vector.shape_cast %reduce_sum3A_44 : vector<1xf32> to vector<1x1x1xf32>
    %reduce_sum3A_46 = vector.extract %reduce_sum3A_45[0, 0, 0] : f32 from vector<1x1x1xf32>
    %mul3A_47 = vector.broadcast %div3A_35 : vector<1x2048xf32> to vector<16x2048xf32>
    %mul3A_48 = arith.mulf %exp3A, %mul3A_47 : vector<16x2048xf32>
    %reduce_sum3A_49 = arith.constant dense<0.000000e+00> : vector<16xf32>
    %reduce_sum3A_50 = vector.multi_reduction <add>, %mul3A_48, %reduce_sum3A_49 [1] : vector<16x2048xf32> to vector<16xf32>
    %broadcast_in_dim3A_51 = vector.shape_cast %reduce_sum3A_50 : vector<16xf32> to vector<16x1xf32>
    %swap3A = arith.constant 0 : index
    %swap3A_52 = arith.constant 0 : index
    %swap3A_53 = vector.load %arg7[%swap3A, %swap3A_52] : memref<2048x512xf32, #tpu.memory_space<vmem>>, vector<2048x512xf32>
    tpu.vector_store %arg7[%swap3A, %swap3A_52], %get3A_13 {strides = array<i32>} : memref<2048x512xf32, #tpu.memory_space<vmem>>, vector<2048x512xf32>,
    %get3A_54 = arith.constant 0 : index
    %get3A_55 = arith.constant 0 : index
    %get3A_56 = vector.load %arg12[%get3A_54, %get3A_55] : memref<16x128xf32, #tpu.memory_space<vmem>>, vector<16x1xf32>
    %add3A_57 = arith.addf %get3A_56, %broadcast_in_dim3A_51 : vector<16x1xf32>
    %swap3A_58 = arith.constant 0 : index
    %swap3A_59 = arith.constant 0 : index
    %swap3A_60 = vector.load %arg12[%swap3A_58, %swap3A_59] : memref<16x128xf32, #tpu.memory_space<vmem>>, vector<16x1xf32>
    tpu.vector_store %arg12[%swap3A_58, %swap3A_59], %add3A_57 {strides = array<i32>} : memref<16x128xf32, #tpu.memory_space<vmem>>, vector<16x1xf32>,
    %get3A_61 = arith.constant 0 : index
    %get3A_62 = memref.load %arg13[%get3A_61] : memref<1xf32, #tpu.memory_space<smem>>
    %add3A_63 = arith.addf %get3A_62, %reduce_sum3A_46 : f32
    %swap3A_64 = arith.constant 0 : index
    %swap3A_65 = memref.load %arg13[%swap3A_64] : memref<1xf32, #tpu.memory_space<smem>>
    memref.store %add3A_63, %arg13[%swap3A_64] : memref<1xf32, #tpu.memory_space<smem>>
    %eq3A_66 = arith.constant 31 : i32
    %eq3A_67 = arith.cmpi eq, %arg0, %eq3A_66 : i32
    %convert_element_type3A_68 = arith.extui %eq3A_67 : i1 to i32
    %cond3A_69 = arith.constant 0 : i32
    %cond3A_70 = arith.cmpi ne, %convert_element_type3A_68, %cond3A_69 : i32
    scf.if %cond3A_70 {
      %get3A_71 = arith.constant 0 : index
      %get3A_72 = arith.constant 0 : index
      %get3A_73 = vector.load %arg12[%get3A_71, %get3A_72] : memref<16x128xf32, #tpu.memory_space<vmem>>, vector<16x1xf32>
      %div3A_74 = arith.constant 6.656000e+04 : f32
      %div3A_75 = vector.broadcast %div3A_74 : f32 to vector<16x1xf32>
      %div3A_76 = arith.divf %get3A_73, %div3A_75 : vector<16x1xf32>
      %add3A_77 = arith.constant 9.99999993E-9 : f32
      %add3A_78 = vector.broadcast %add3A_77 : f32 to vector<16x1xf32>
      %add3A_79 = arith.addf %div3A_76, %add3A_78 : vector<16x1xf32>
      %log3A_80 = math.log %add3A_79 : vector<16x1xf32>
      %mul3A_81 = arith.mulf %div3A_76, %log3A_80 : vector<16x1xf32>
      %reduce_sum3A_82 = vector.shape_cast %mul3A_81 : vector<16x1xf32> to vector<1x16x1xf32>
      %reduce_sum3A_83 = arith.constant dense<0.000000e+00> : vector<1xf32>
      %reduce_sum3A_84 = vector.multi_reduction <add>, %reduce_sum3A_82, %reduce_sum3A_83 [1, 2] : vector<1x16x1xf32> to vector<1xf32>
      %reduce_sum3A_85 = vector.shape_cast %reduce_sum3A_84 : vector<1xf32> to vector<1x1x1xf32>
      %reduce_sum3A_86 = vector.extract %reduce_sum3A_85[0, 0, 0] : f32 from vector<1x1x1xf32>
      %get3A_87 = arith.constant 0 : index
      %get3A_88 = memref.load %arg13[%get3A_87] : memref<1xf32, #tpu.memory_space<smem>>
      %div3A_89 = arith.constant 6.656000e+04 : f32
      %div3A_90 = arith.divf %get3A_88, %div3A_89 : f32
      %add3A_91 = arith.addf %div3A_90, %reduce_sum3A_86 : f32
      %swap3A_92 = arith.constant 0 : index
      %swap3A_93 = arith.constant 0 : index
      %swap3A_94 = memref.load %arg9[%swap3A_92, %swap3A_93] : memref<1x1xf32, #tpu.memory_space<smem>>
      memref.store %add3A_91, %arg9[%swap3A_92, %swap3A_93] : memref<1x1xf32, #tpu.memory_space<smem>>
    } else {
    }
    return
  }
  func.func @transform_0(%arg0: i32) -> (i32, i32) {
    %c0_i32 = arith.constant 0 : i32
    %c0_i32_0 = arith.constant 0 : i32
    return %arg0, %c0_i32 : i32, i32
  }
  func.func @transform_1(%arg0: i32) -> (i32, i32) {
    %c0_i32 = arith.constant 0 : i32
    %c0_i32_0 = arith.constant 0 : i32
    %c0_i32_1 = arith.constant 0 : i32
    return %c0_i32, %c0_i32_0 : i32, i32
  }
  func.func @transform_2(%arg0: i32) -> (i32, i32) {
    %c0_i32 = arith.constant 0 : i32
    %c0_i32_0 = arith.constant 0 : i32
    %c0_i32_1 = arith.constant 0 : i32
    return %c0_i32, %c0_i32_0 : i32, i32
  }
  func.func @transform_3(%arg0: i32) -> (i32, i32) {
    %c0_i32 = arith.constant 0 : i32
    %c0_i32_0 = arith.constant 0 : i32
    %c0_i32_1 = arith.constant 0 : i32
    return %c0_i32, %c0_i32_0 : i32, i32
  }
  func.func @transform_4(%arg0: i32) -> (i32, i32) {
    %c0_i32 = arith.constant 0 : i32
    %c0_i32_0 = arith.constant 0 : i32
    %c0_i32_1 = arith.constant 0 : i32
    return %c0_i32, %c0_i32_0 : i32, i32
  }
  func.func @transform_5(%arg0: i32) -> (i32, i32) {
    %c0_i32 = arith.constant 0 : i32
    %c0_i32_0 = arith.constant 0 : i32
    %c0_i32_1 = arith.constant 0 : i32
    return %c0_i32, %c0_i32_0 : i32, i32
  }
  func.func @transform_6(%arg0: i32) -> (i32, i32) {
    %c0_i32 = arith.constant 0 : i32
    %c0_i32_0 = arith.constant 0 : i32
    return %arg0, %c0_i32 : i32, i32
  }
  func.func @transform_7(%arg0: i32) -> (i32, i32) {
    %c0_i32 = arith.constant 0 : i32
    %c0_i32_0 = arith.constant 0 : i32
    %c0_i32_1 = arith.constant 0 : i32
    return %c0_i32, %c0_i32_0 : i32, i32
  }
  func.func @transform_8(%arg0: i32) -> (i32, i32) {
    %c0_i32 = arith.constant 0 : i32
    %c0_i32_0 = arith.constant 0 : i32
    %c0_i32_1 = arith.constant 0 : i32
    return %c0_i32, %c0_i32_0 : i32, i32
  }
  func.func @transform_9(%arg0: i32) -> (i32, i32) {
    %c0_i32 = arith.constant 0 : i32
    %c0_i32_0 = arith.constant 0 : i32
    %c0_i32_1 = arith.constant 0 : i32
    return %c0_i32, %c0_i32_0 : i32, i32
  }
  func.func @transform_10(%arg0: i32) -> (i32, i32) {
    %c0_i32 = arith.constant 0 : i32
    %c0_i32_0 = arith.constant 0 : i32
    %c0_i32_1 = arith.constant 0 : i32
    return %c0_i32, %c0_i32_0 : i32, i32
  }
}

</mosaic_0001>

<sc_bundles>
// kernel: kernel.4.cloned.1.call-start
scs
__scs_entry_jumppad:
0x0: {  	(pc) =	sbr.rel $0x88, $3  }
0x1: {  	(tag) =	ssettag $0x0;
	lr =	simm.s32 $0x1  }
0x2: {  	[smem:$0x3F9C] =	sst lr;
	_ =	strace $0xD0000000  }
0x3: {  	_ = 	snop  }
0x4: {  	_ = 	snop  }
0x5: {  	_ = 	snop  }
0x6: {  	_ = 	snop  }
0x7: {  	_ = 	snop  }
__scs_overlays_trampoline_lowered:
0x8: {  	[smem:$0x3FAB] =	sst s0  }
0x9: {  	[smem:$0x3FAC] =	sst s1  }
0xa: {  	[smem:$0x3FAD] =	sst s2  }
0xb: {  	[smem:$0x3FAE] =	sst s3  }
0xc: {  	[smem:$0x3FAF] =	sst s4  }
0xd: {  	[smem:$0x3FB0] =	sst s5  }
0xe: {  	[smem:$0x3FB1] =	sst s6  }
0xf: {  	[smem:$0x3FB2] =	sst s7  }
0x10: {  	[smem:$0x3FB3] =	sst s8  }
0x11: {  	[smem:$0x3FB4] =	sst s9;
	s0 =	simm.s32 @!p0 $0x0  }
0x12: {  	s1 =	sld [smem:$0x3F9A];
	s0 =	simm.s32 @p0 $0x1  }
0x13: {  	[smem:$0x3FB5] =	sst s0;
	s0 =	simm.s32 @!p1 $0x0  }
0x14: {  	s2 =	sld [smem:$0x3F99];
	s0 =	simm.s32 @p1 $0x1  }
0x15: {  	[smem:$0x3FB6] =	sst s0;
	s0 =	simm.s32 @!p2 $0x0  }
0x16: {  	s3 =	sld [smem:$0x3FDB];
	s0 =	simm.s32 @p2 $0x1  }
0x17: {  	s4 =	simm.s32 $0x1BF5;
	[smem:$0x3FB8] =	sst s0  }
0x18: {  	s0 =	sld [smem:$0x3F9B];
	_ =	swait.ge [sflag:s4], $0x0  }
0x19: {  	s7 =	sld [smem:$0x3F9C]  }
0x1a: {  	s8 =	sadd.s32 $0xFFFFE003, lr  }
0x1b: {  	s9 =	sadd.s32 $0xFFFFFEF7, lr;
	s5 =	simm.s32 $0xFFFFFFFF;
	p2 =	slt.u32 s8, $0xFFFFF086  }
0x1c: {  	p1 =	slt.u32 s9, $0xF7A;
	s5 =	simm.s32 @!p2 $0x0  }
0x1d: {  	s5 =	simm.s32 @p1 $0x1;
	p0 =	seq.s32 s7, s2  }
0x1e: {  	s7 =	smul.u32 @!p0 $0xF7A, s2;
	p2 =	seq.s32 @!p0 s5, $0x0  }
0x1f: {  	s9 =	smul.u32 $0xF7A, s1;
	s8 =	simm.s32 @!p0 $0x1BF5;
	p2 =	por !p2, p0  }
0x20: {  	[sflag:s8] =	ssyncset.s32 @!p0 $0xFFFFF086;
	s6 =	sadd.s32 @!p0 s3, s7;
	s7 =	simm.s32 @!p0 $0x108  }
0x21: {  	s3 =	sadd.s32 s3, s9;
	s6 =	sadd.s32 @!p0 $0x88, s6;
	s7 =	simm.s32 @p2 $0x1082  }
0x22: {  	[simem:s7], [sflag:s8] =	dma.local @!p0 [hbm:s6], $0xF7A  }
0x23: {  	s9 =	sor.u32 $0xD0000000, s2;
	s6 =	simm.s32 $0x108;
	_ =	swait.ge @!p0 [sflag:s8], $0x0  }
0x24: {  	s3 =	sadd.s32 $0x88, s3;
	s6 =	simm.s32 @!p1 $0x1082;
	[sflag:s4] =	ssyncset.s32 $0xFFFFF086  }
0x25: {  	[simem:s6], [sflag:s4] =	dma.local [hbm:s3], $0xF7A  }
0x26: {  	[smem:$0x3F9C] =	sst s1;
	(tag) =	ssettag s2;
	_ =	strace s9  }
0x27: {  	s1 =	sld [smem:$0x3FAC]  }
0x28: {  	s2 =	sld [smem:$0x3FAD]  }
0x29: {  	s4 =	sld [smem:$0x3FAF]  }
0x2a: {  	p0 =	seq.s32 s5, $0x0;
	s5 =	sld [smem:$0x3FB0]  }
0x2b: {  	s6 =	sld [smem:$0x3FB1]  }
0x2c: {  	s7 =	sld [smem:$0x3FB2]  }
0x2d: {  	s3 =	simm.s32 $0x108;
	s8 =	sld [smem:$0x3FB3]  }
0x2e: {  	s3 =	simm.s32 @!p0 $0x1082;
	s9 =	sld [smem:$0x3FB4]  }
0x2f: {  	lr =	sadd.s32 s0, s3;
	s0 =	sld [smem:$0x3FAB]  }
0x30: {  	s3 =	sld [smem:$0x3FAE]  }
0x31: {  	[smem:$0x3FB7] =	sst s10  }
0x32: {  	s10 =	sld [smem:$0x3FB5];
	_ =	sdelay $0x3  }
0x33: {  	p0 =	seq.s32 s10, $0x1;
	s10 =	sld [smem:$0x3FB7];
	_ =	sdelay $0x3  }
0x34: {  	[smem:$0x3FB7] =	sst s10  }
0x35: {  	s10 =	sld [smem:$0x3FB6];
	_ =	sdelay $0x3  }
0x36: {  	p1 =	seq.s32 s10, $0x1;
	s10 =	sld [smem:$0x3FB7];
	_ =	sdelay $0x3  }
0x37: {  	[smem:$0x3FB7] =	sst s10  }
0x38: {  	s10 =	sld [smem:$0x3FB8]  }
0x39: {  	_ = 	snop;
	(pc) =	sbr.ind lr, $3  }
0x3a: {  	_ = 	snop  }
0x3b: {  	_ = 	snop  }
0x3c: {  	p2 =	seq.s32 s10, $0x1;
	s10 =	sld [smem:$0x3FB7]  }
0x3d: {  	_ =	shalt  }
0x3e: {  	_ =	shalt  }
0x3f: {  	_ =	shalt  }
0x40: {  	_ =	shalt  }
0x41: {  	_ =	shalt  }
0x42: {  	_ =	shalt  }
0x43: {  	_ =	shalt  }
0x44: {  	_ =	shalt  }
0x45: {  	_ =	shalt  }
0x46: {  	_ =	shalt  }
0x47: {  	_ =	shalt  }
0x48: {  	_ =	shalt  }
0x49: {  	_ =	shalt  }
0x4a: {  	_ =	shalt  }
0x4b: {  	_ =	shalt  }
0x4c: {  	_ =	shalt  }
0x4d: {  	_ =	shalt  }
0x4e: {  	_ =	shalt  }
0x4f: {  	_ =	shalt  }
0x50: {  	_ =	shalt  }
0x51: {  	_ =	shalt  }
0x52: {  	_ =	shalt  }
0x53: {  	_ =	shalt  }
0x54: {  	_ =	shalt  }
0x55: {  	_ =	shalt  }
0x56: {  	_ =	shalt  }
0x57: {  	_ =	shalt  }
0x58: {  	_ =	shalt  }
0x59: {  	_ =	shalt  }
0x5a: {  	_ =	shalt  }
0x5b: {  	_ =	shalt  }
0x5c: {  	_ =	shalt  }
0x5d: {  	_ =	shalt  }
0x5e: {  	_ =	shalt  }
0x5f: {  	_ =	shalt  }
0x60: {  	_ =	shalt  }
0x61: {  	_ =	shalt  }
0x62: {  	_ =	shalt  }
0x63: {  	_ =	shalt  }
0x64: {  	_ =	shalt  }
0x65: {  	_ =	shalt  }
0x66: {  	_ =	shalt  }
0x67: {  	_ =	shalt  }
0x68: {  	_ =	shalt  }
0x69: {  	_ =	shalt  }
0x6a: {  	_ =	shalt  }
0x6b: {  	_ =	shalt  }
0x6c: {  	_ =	shalt  }
0x6d: {  	_ =	shalt  }
0x6e: {  	_ =	shalt  }
0x6f: {  	_ =	shalt  }
0x70: {  	_ =	shalt  }
0x71: {  	_ =	shalt  }
0x72: {  	_ =	shalt  }
0x73: {  	_ =	shalt  }
0x74: {  	_ =	shalt  }
0x75: {  	_ =	shalt  }
0x76: {  	_ =	shalt  }
0x77: {  	_ =	shalt  }
0x78: {  	_ =	shalt  }
0x79: {  	_ =	shalt  }
0x7a: {  	_ =	shalt  }
0x7b: {  	_ =	shalt  }
0x7c: {  	_ =	shalt  }
0x7d: {  	_ =	shalt  }
0x7e: {  	_ =	shalt  }
0x7f: {  	_ =	shalt  }
0x80: {  	_ =	shalt  }
0x81: {  	_ =	shalt  }
0x82: {  	_ =	shalt  }
0x83: {  	_ =	shalt  }
0x84: {  	_ =	shalt  }
0x85: {  	_ =	shalt  }
0x86: {  	_ =	shalt  }
0x87: {  	_ =	shalt  }
.Lfunc_end0:
.L_simem_size_0:
called_computation_lowered:
.L_overlay_start_0:
0x88: {  	s2 =	sld [smem:$0x3FD9]  }
0x89: {  	s3 =	sld [smem:$0x3FFE];
	_ =	sdelay $0x1  }
0x8a: {  	s1 =	srdreg.scid  }
0x8b: {  	s0 =	sand.u32 $0x1, s1  }
0x8c: {  	s14 =	sshll.u32 s0, $0xA;
	s2 =	sadd.s32 s3, s2  }
0x8d: {  	s2 =	sadd.s32 s2, s14  }
0x8e: {  	[smem:$0x3FC3] =	sst s2  }
0x8f: {  	_ = 	snop  }
0x90: {  	s2 =	sld [smem:$0x3FD0];
	_ =	sdelay $0x1  }
0x91: {  	s15 =	sld [smem:$0x3FC8]  }
0x92: {  	s5 =	simm.s32 $0xA;
	s6 =	simm.s32 $0x10;
	s4 =	sld [smem:$0x3FC5]  }
0x93: {  	[smem:s6], [sflag:s5] =	dma.local [hbm:s2], $0x1  }
0x94: {  	_ =	swait.eq [sflag:s5], $0x1  }
0x95: {  	[sflag:s5] =	ssyncset.done $0x0  }
0x96: {  	[sflag:s5] =	ssyncadd.s32 $0xFFFFFFFF  }
0x97: {  	s16 =	sld [smem:$0x13];
	(tm) =	ssettm $0x1  }
0x98: {  	s17 =	sld [smem:$0x3FFB];
	_ =	sdelay $0x3  }
0x99: {  	_ =	strace s17  }
0x9a: {  	s5 =	sld [smem:$0x3FFC];
	_ =	sdelay $0x3  }
0x9b: {  	_ =	strace s5  }
0x9c: {  	s5 =	sld [smem:$0x3FFD];
	_ =	sdelay $0x3  }
0x9d: {  	_ =	strace s5  }
0x9e: {  	_ =	strace $0x8FFFFFFF  }
0x9f: {  	s18 =	sld [smem:$0x3FDB];
	_ =	sdelay $0x1  }
0xa0: {  	s19 =	simm.s32 $_scs_section_size  }
0xa1: {  	s7 =	simm.s32 $_size__tile_overlayer_lowered;
	s8 =	simm.s32 $_tile_overlayer_lowered  }
0xa2: {  	s22 =	simm.s32 $0x1BFF;
	s21 =	sshll.u32 s8, $0x1;
	s5 =	sadd.s32 s19, s18  }
0xa3: {  	s9 =	simm.s32 $0x0;
	s20 =	sshll.u32 s7, $0x1;
	s7 =	sadd.s32 s21, s5  }
0xa4: {  	[timem:s9], [sflag:s22] =	dma.local [hbm:s7], s20  }
0xa5: {  	_ =	swait.ge [sflag:s22], s20  }
0xa6: {  	s6 =	ssub.s32 $0x0, s20;
	[sflag:s22] =	ssyncset.done $0x0  }
0xa7: {  	[sflag:s22] =	ssyncadd.s32 s6;
	_ =	sdelay $0x1  }
0xa8: {  	s23 =	simm.s32 $0x1B8B  }
0xa9: {  	_ =	swait.ge [sflag:s23], $0x1  }
0xaa: {  	[sflag:s23] =	ssyncset.done $0x0  }
0xab: {  	s25 =	simm.s32 $0x1B8E;
	s24 =	sld [smem:$0x3FFE];
	[sflag:s23] =	ssyncadd.s32 $0xFFFFFFFF  }
0xac: {  	s26 =	simm.s32 $execute0_lowered;
	[smem:$0x3FD2] =	sst s25  }
0xad: {  	s7 =	sshll.u32 s26, $0x1;
	_ =	strace $0x80000046;
	[dreg:$0x1] =	wrdreg $0xFFFFFFFF  }
0xae: {  	s28 =	simm.s32 $_size_execute0_lowered;
	s5 =	sadd.s32 s5, s7;
	[dreg:$0x0] =	wrdreg $0x0  }
0xaf: {  	s7 =	sshll.u32 s28, $0x1;
	[dreg:$0x2] =	wrdreg s5  }
0xb0: {  	[dreg:$0x3] =	wrdreg s7  }
0xb1: {  	[dreg:$0x4] =	wrdreg $0xC0  }
0xb2: {  	_ =	task [dreg:s9], $0x5FFFF  }
0xb3: {  	[dreg:$0x1] =	wrdreg $0xFFFFFFFF  }
0xb4: {  	[dreg:$0x0] =	wrdreg $0x60  }
0xb5: {  	[dreg:$0x2] =	wrdreg s16  }
0xb6: {  	[dreg:$0x3] =	wrdreg s15  }
0xb7: {  	[dreg:$0x4] =	wrdreg s4  }
0xb8: {  	[dreg:$0x5] =	wrdreg s24  }
0xb9: {  	[dreg:$0x6] =	wrdreg $0x9  }
0xba: {  	_ =	task.clear_ibuf [dreg:s9], $0x7FFFF;
	_ =	strace $0x90000046  }
0xbb: {  	s29 =	simm.s32 $0x9;
	_ =	strace $0x80000048  }
0xbc: {  	_ =	swait.ge [sflag:s29], $0x1  }
0xbd: {  	[sflag:s29] =	ssyncadd.s32 $0xFFFFFFFF  }
0xbe: {  	_ =	strace $0x90000048  }
0xbf: {  	_ =	sfence  }
0xc0: {  	s30 =	sld [smem:$0x0];
	_ =	sdelay $0x2  }
0xc1: {  	s31 =	sshll.u32 s1, $0xD;
	s1 =	sshrl.u32 s1, $0x2  }
0xc2: {  	s3 =	sand.u32 $0x4000, s31;
	s1 =	sadd.s32 s1, s30  }
0xc3: {  	s0 =	sor.u32 s3, s0;
	s1 =	sshll.u32 s1, $0x11  }
0xc4: {  	s0 =	sor.u32 s1, s0  }
0xc5: {  	s0 =	sadd.s32 $0x8F2B, s0  }
0xc6: {  	[sflag:s0] =	ssyncadd.remote.s32 $0x1  }
0xc7: {  	_ =	sfence.sel $0xFFFF  }
0xc8: {  	[dreg:$0x0] =	wrdreg $0xFFFFFFFF;
	(pc) =	sbr.abs _section_cstart, $3  }
0xc9: {  	[dreg:$0x1] =	wrdreg $0xFFFFFFFF  }
0xca: {  	_ =	task.clear_ibuf [dreg:s9], $0x2FFFF;
	_ =	strace $0x9FFFFFFF  }
0xcb: {  	(tm) =	ssettm $0x7FFFFFFF  }
tec
execute0_lowered:
.L_overlay_start_1:
0x0: {  	(tag) =	ssettag $0x1  }
0x1: {  	s1 =	rddreg [dreg:$0x0]  }
0x2: {  	s2 =	rddreg [dreg:$0x1]  }
0x3: {  	s5 =	rddreg [dreg:$0x2]  }
0x4: {  	s6 =	rddreg [dreg:$0x3];
	s4 =	srdreg.scid  }
0x5: {  	s0 =	rddreg [dreg:$0x4];
	s3 =	stileid.u32;
	s10 =	simm.s32 $0x3  }
0x6: {  	s11 =	simm.s32 $0x80;
	s12 =	simm.s32 $0x100;
	s13 =	simm.s32 $0x900  }
0x7: {  	s14 =	simm.s32 $0x1100;
	s15 =	simm.s32 $0x1900;
	s16 =	simm.s32 $0x2100  }
0x8: {  	s17 =	simm.s32 $0x2900;
	s18 =	simm.s32 $0x3100;
	s19 =	simm.s32 $0x3900  }
0x9: {  	s20 =	simm.s32 $0x1;
	s21 =	simm.s32 $0x2;
	s7 =	sand.u32 $0x1, s4  }
0xa: {  	s4 =	simm.s32 $0x0;
	s8 =	sshll.u32 s3, $0x3;
	s9 =	sshll.u32 s7, $0x2  }
0xb: {  	[smem:$0x7FF] =	sst s4;
	s7 =	ssub.s32 $0x2, s7;
	s8 =	sor.u32 s9, s8  }
0xc: {  	v2 =	vlaneseq.u32;
	_ =	strace $0x80000047;
	s31 =	sshrl.u32 s7, $0x1;
	s6 =	sadd.s32 s8, s6  }
0xd: {  	vm0 =	vmmov $0xffff;
	v1 =	vshrl.u32 v2, $0x3;
	s9 =	ssub.s32 s7, s31;
	s5 =	sadd.s32 s5, s8;
	s7 =	sadd.s32 $0x100, s2  }
0xe: {  	v0 =	vand.u32 $0x7, v2;
	v2 =	vor.u32 $0x8, v2;
	v1 =	vmul.u32 $0x8, v1;
	s8 =	sadd.s32 $0x100, s1;
	s6 =	sadd.s32 $0x4A00, s6;
	s9 =	smax.u32 s9, $0x1  }
.LBB2_1:
0xf: {  	[tilespmem:s4], [sflag:$0x3] =	stream.linear.gather [hbm4b:s5+s4], $0x20, $0x38;
	[tilespmem:$0x4100] =	vst v63  }
0x10: {  	_ =	swait.ge [sflag:s10], $0x20  }
0x11: {  	[sflag:s10] =	ssyncset.done $0x0  }
0x12: {  	[sflag:s10] =	ssyncadd.s32 $0xFFFFFFE0  }
0x13: {  	[tilespmem:s11], [sflag:$0x3] =	stream.linear.gather [hbm4b:s6+s4], $0x20, $0x38;
	[tilespmem:$0x4100] =	vst v63  }
0x14: {  	_ =	swait.ge [sflag:s10], $0x20  }
0x15: {  	[sflag:s10] =	ssyncset.done $0x0  }
0x16: {  	[sflag:s10] =	ssyncadd.s32 $0xFFFFFFE0  }
0x17: {  	v3 =	vld [tilespmem:$0x80];
	_ =	sdelay $0x4  }
0x18: {  	v4 =	vshll.u32 v3, $0x2  }
0x19: {  	v3 =	vand.u32 $0x7, v3;
	v4 =	vand.u32 $0xFFFFFFE0, v4  }
0x1a: {  	v3 =	vor.u32 v3, v4  }
0x1b: {  	v4 =	vperm.xlane v3, v0;
	_ =	sdelay $0x1  }
0x1c: {  	v4 =	vadd.s32 v1, v4;
	_ =	sdelay $0x1  }
0x1d: {  	v3 =	vperm.xlane v3, v2;
	_ =	sdelay $0x1  }
0x1e: {  	v3 =	vadd.s32 v1, v3  }
0x1f: {  	[tilespmem:s12], [sflag:$0x1] =	stream.indirect_vreg.gather [hbm4b:s2+s4], $0x80, v4, vm0, $0xb8;
	[tilespmem:$0x4100] =	vst v63  }
0x20: {  	_ = 	snop  }
0x21: {  	[tilespmem:s13], [sflag:$0x1] =	stream.indirect_vreg.gather [hbm4b:s7+s4], $0x80, v4, vm0, $0xb8;
	[tilespmem:$0x4100] =	vst v63  }
0x22: {  	_ = 	snop  }
0x23: {  	[tilespmem:s14], [sflag:$0x1] =	stream.indirect_vreg.gather [hbm4b:s2+s4], $0x80, v3, vm0, $0xb8;
	[tilespmem:$0x4100] =	vst v63  }
0x24: {  	_ = 	snop  }
0x25: {  	[tilespmem:s15], [sflag:$0x1] =	stream.indirect_vreg.gather [hbm4b:s7+s4], $0x80, v3, vm0, $0xb8;
	[tilespmem:$0x4100] =	vst v63  }
0x26: {  	v3 =	vld [tilespmem:$0x90];
	_ =	sdelay $0x4  }
0x27: {  	v61 =	vshll.u32 v3, $0x2  }
0x28: {  	v3 =	vand.u32 $0x7, v3;
	v4 =	vand.u32 $0xFFFFFFE0, v61  }
0x29: {  	v3 =	vor.u32 v3, v4  }
0x2a: {  	v4 =	vperm.xlane v3, v0;
	_ =	sdelay $0x1  }
0x2b: {  	v4 =	vadd.s32 v1, v4;
	_ =	sdelay $0x1  }
0x2c: {  	v3 =	vperm.xlane v3, v2;
	_ =	sdelay $0x1  }
0x2d: {  	v3 =	vadd.s32 v1, v3  }
0x2e: {  	[tilespmem:s16], [sflag:$0x1] =	stream.indirect_vreg.gather [hbm4b:s2+s4], $0x80, v4, vm0, $0xb8;
	[tilespmem:$0x4100] =	vst v63  }
0x2f: {  	_ = 	snop  }
0x30: {  	[tilespmem:s17], [sflag:$0x1] =	stream.indirect_vreg.gather [hbm4b:s7+s4], $0x80, v4, vm0, $0xb8;
	[tilespmem:$0x4100] =	vst v63  }
0x31: {  	_ = 	snop  }
0x32: {  	[tilespmem:s18], [sflag:$0x1] =	stream.indirect_vreg.gather [hbm4b:s2+s4], $0x80, v3, vm0, $0xb8;
	[tilespmem:$0x4100] =	vst v63  }
0x33: {  	_ = 	snop  }
0x34: {  	[tilespmem:s19], [sflag:$0x1] =	stream.indirect_vreg.gather [hbm4b:s7+s4], $0x80, v3, vm0, $0xb8;
	[tilespmem:$0x4100] =	vst v63  }
0x35: {  	_ =	swait.ge [sflag:s20], $0x4000  }
0x36: {  	[sflag:s20] =	ssyncset.done $0x0  }
0x37: {  	[sflag:s20] =	ssyncadd.s32 $0xFFFFC000  }
0x38: {  	v3 =	vld [tilespmem:$0x0];
	_ =	sdelay $0x4  }
0x39: {  	v62 =	vshll.u32 v3, $0x2  }
0x3a: {  	v3 =	vand.u32 $0x7, v3;
	v4 =	vand.u32 $0xFFFFFFE0, v62  }
0x3b: {  	v3 =	vor.u32 v3, v4  }
0x3c: {  	v4 =	vperm.xlane v3, v0;
	_ =	sdelay $0x1  }
0x3d: {  	v4 =	vadd.s32 v1, v4;
	_ =	sdelay $0x1  }
0x3e: {  	v3 =	vperm.xlane v3, v2;
	_ =	sdelay $0x1  }
0x3f: {  	v3 =	vadd.s32 v1, v3  }
0x40: {  	[hbm4b:s1+s4] =	stream.indirect_vreg.scatter [tilespmem:s12], [sflag:$0x2], $0x80, v4, vm0, $0xb8;
	[tilespmem:$0x4100] =	vst v63  }
0x41: {  	_ = 	snop  }
0x42: {  	[hbm4b:s8+s4] =	stream.indirect_vreg.scatter [tilespmem:s13], [sflag:$0x2], $0x80, v4, vm0, $0xb8;
	[tilespmem:$0x4100] =	vst v63  }
0x43: {  	_ = 	snop  }
0x44: {  	[hbm4b:s1+s4] =	stream.indirect_vreg.scatter [tilespmem:s14], [sflag:$0x2], $0x80, v3, vm0, $0xb8;
	[tilespmem:$0x4100] =	vst v63  }
0x45: {  	_ = 	snop  }
0x46: {  	[hbm4b:s8+s4] =	stream.indirect_vreg.scatter [tilespmem:s15], [sflag:$0x2], $0x80, v3, vm0, $0xb8;
	[tilespmem:$0x4100] =	vst v63  }
0x47: {  	v3 =	vld [tilespmem:$0x10];
	_ =	sdelay $0x4  }
0x48: {  	v63 =	vshll.u32 v3, $0x2  }
0x49: {  	v3 =	vand.u32 $0x7, v3;
	v4 =	vand.u32 $0xFFFFFFE0, v63  }
0x4a: {  	v3 =	vor.u32 v3, v4  }
0x4b: {  	v4 =	vperm.xlane v3, v0;
	_ =	sdelay $0x1  }
0x4c: {  	v4 =	vadd.s32 v1, v4;
	_ =	sdelay $0x1  }
0x4d: {  	v3 =	vperm.xlane v3, v2;
	_ =	sdelay $0x1  }
0x4e: {  	v3 =	vadd.s32 v1, v3  }
0x4f: {  	[hbm4b:s1+s4] =	stream.indirect_vreg.scatter [tilespmem:s16], [sflag:$0x2], $0x80, v4, vm0, $0xb8;
	[tilespmem:$0x4100] =	vst v63  }
0x50: {  	_ = 	snop  }
0x51: {  	[hbm4b:s8+s4] =	stream.indirect_vreg.scatter [tilespmem:s17], [sflag:$0x2], $0x80, v4, vm0, $0xb8;
	[tilespmem:$0x4100] =	vst v63  }
0x52: {  	p0 =	sne.s32 s9, $0x1  }
0x53: {  	[hbm4b:s1+s4] =	stream.indirect_vreg.scatter [tilespmem:s18], [sflag:$0x2], $0x80, v3, vm0, $0xb8;
	[tilespmem:$0x4100] =	vst v63  }
.Ltmp0:
0x54: {  	_ = 	snop;
	(pc) =	sbr.rel @p0 .LBB2_1-.Ltmp0, $4  }
0x55: {  	[hbm4b:s8+s4] =	stream.indirect_vreg.scatter [tilespmem:s19], [sflag:$0x2], $0x80, v3, vm0, $0xb8;
	[tilespmem:$0x4100] =	vst v63  }
0x56: {  	_ =	swait.ge [sflag:s21], $0x4000  }
0x57: {  	[sflag:s21] =	ssyncset.done $0x0  }
0x58: {  	s9 =	sadd.s32 $0xFFFFFFFF, s9;
	[sflag:s21] =	ssyncadd.s32 $0xFFFFC000  }
0x59: {  	_ =	sfence.sel $0x180000  }
0x5a: {  	[bflag:$0x0] =	sbarrier.arrive $0xFFFF  }
0x5b: {  	p0 =	sne.s32 s3, $0x0;
	_ =	strace $0x90000047  }
0x5c: {  	s0 =	sadd.s32 @!p0 $0x100000, s0;
	[bflag:$0x2] =	sbarrier.arrive $0xFFFF  }
0x5d: {  	[sflag:s0] =	ssyncadd.tile.s32 @!p0 $0x1;
	_ =	shalt  }
.Lfunc_end2:
_tile_overlayer_lowered:
.L_overlay_start_2:
0x5e: {  	(tag) =	ssettag $0x2  }
0x5f: {  	s0 =	rddreg [dreg:$0x0];
	s2 =	stileid.u32  }
0x60: {  	s1 =	rddreg [dreg:$0x1];
	p0 =	sne.s32 s2, $0x0  }
0x61: {  	s3 =	rddreg [dreg:$0x2];
	[bflag:$0x3] =	sbarrier.arrive $0xFFFF;
	s2 =	simm.s32 @!p0 $0x1C03  }
0x62: {  	[timem:s3], [sflag:s2] =	dma.local @!p0 [hbm:s0], s1  }
0x63: {  	s0 =	simm.s32 @!p0 $0x3  }
0x64: {  	_ =	swait.ge @!p0 [sflag:s0], s1  }
0x65: {  	s1 =	ssub.s32 @!p0 $0x0, s1;
	[sflag:s0] =	ssyncset.done @!p0 $0x0  }
0x66: {  	[sflag:s0] =	ssyncadd.s32 @!p0 s1  }
0x67: {  	[bflag:$0x3] =	sbarrier.arrive $0xFFFF  }
0x68: {  	_ =	shalt  }

</sc_bundles>
